<compile_context>
chip_gen: v7x
topology: tpu7x:2x2x1
jax: 0.10.2.dev20260603
libtpu: 0.0.44.dev20260713+nightly
codegen_flags: <defaults>
</compile_context>

<pallas_src>
import functools

import jax
import jax.numpy as jnp
from jax import lax
from jax.experimental import pallas as pl
from jax.experimental.pallas import tpu as pltpu
from jax.experimental.pallas import tpu_sc as plsc

_BATCH = 16384
_D = 32
_NC = 2
_NS = 16
_NW = _NC * _NS
_BPW = _BATCH // _NW
_CHUNK = 128
_NCHUNK = _BPW // _CHUNK
_L = 16


def _sc_gather_mul(uidx_hbm, iidx_hbm, utab_hbm, itab_hbm, out_hbm,
                   uidx_v, iidx_v, u_v, v_v, sem_u, sem_i):
    wid = lax.axis_index("s") * _NC + lax.axis_index("c")
    crow = wid * _NCHUNK
    pltpu.sync_copy(uidx_hbm.at[pl.ds(crow, _NCHUNK)], uidx_v)
    pltpu.sync_copy(iidx_hbm.at[pl.ds(crow, _NCHUNK)], iidx_v)

    copies = []
    for j in range(_NCHUNK):
        dst = u_v.at[pl.ds(j * _CHUNK, _CHUNK)]
        copies.append(pltpu.async_copy(utab_hbm.at[uidx_v.at[j]], dst, sem_u))
    for j in range(_NCHUNK):
        dst = v_v.at[pl.ds(j * _CHUNK, _CHUNK)]
        copies.append(pltpu.async_copy(itab_hbm.at[iidx_v.at[j]], dst, sem_i))
    for c in copies:
        c.wait()

    def body(r, carry):
        a = u_v[r, pl.ds(0, _L)] * v_v[r, pl.ds(0, _L)]
        u_v[r, pl.ds(0, _L)] = a
        b = u_v[r, pl.ds(_L, _L)] * v_v[r, pl.ds(_L, _L)]
        u_v[r, pl.ds(_L, _L)] = b
        return carry

    lax.fori_loop(0, _BPW, body, 0, unroll=4)

    pltpu.sync_copy(u_v, out_hbm.at[pl.ds(wid * _BPW, _BPW)])


@jax.jit
def _sc_call(user_idx, item_idx, user_table, item_table):
    mesh = plsc.VectorSubcoreMesh(
        core_axis_name="c", subcore_axis_name="s",
        num_cores=_NC, num_subcores=_NS)
    fn = functools.partial(
        pl.kernel,
        mesh=mesh,
        out_type=jax.ShapeDtypeStruct((_BATCH, _D), jnp.float32),
        scratch_types=[
            pltpu.VMEM((_NCHUNK, _CHUNK), jnp.int32),
            pltpu.VMEM((_NCHUNK, _CHUNK), jnp.int32),
            pltpu.VMEM((_BPW, _D), jnp.float32),
            pltpu.VMEM((_BPW, _D), jnp.float32),
            pltpu.SemaphoreType.DMA,
            pltpu.SemaphoreType.DMA,
        ],
        compiler_params=pltpu.CompilerParams(use_tc_tiling_on_sc=False),
    )(_sc_gather_mul)
    uidx = user_idx.reshape(_NW * _NCHUNK, _CHUNK).astype(jnp.int32)
    iidx = item_idx.reshape(_NW * _NCHUNK, _CHUNK).astype(jnp.int32)
    return fn(uidx, iidx, user_table, item_table)


def _mlp_body(x_ref, w1_ref, b1_ref, w2_ref, b2_ref, o_ref):
    x = x_ref[...]
    h = jnp.dot(x, w1_ref[...], preferred_element_type=jnp.float32)
    h = jnp.maximum(h + b1_ref[...], 0.0)
    z = jnp.dot(h, w2_ref[...], preferred_element_type=jnp.float32)
    z = z + b2_ref[...]
    o_ref[...] = 1.0 / (1.0 + jnp.exp(-z))


@jax.jit
def _tc_mlp(x, W1, b1, W2, b2):
    out = pl.pallas_call(
        _mlp_body,
        out_shape=jax.ShapeDtypeStruct((_BATCH, 1), jnp.float32),
    )(x, W1, b1.reshape(1, 16), W2, b2.reshape(1, 1))
    return out.reshape(_BATCH)


def kernel(user_idx, item_idx, user_table, item_table, W1, b1, W2, b2):
    x = _sc_call(user_idx, item_idx, user_table, item_table)
    return _tc_mlp(x, W1, b1, W2, b2)

# --- scband reference (transcript-rebuilt; emitter-appended) ---
"""Pipeline reference for scband-mfmodel-49770081026057 (READ-ONLY COPY).

The authoritative reference and input builder live on the scoring server;
editing this copy changes nothing except your own understanding.
"""

import jax, jax.numpy as jnp
import numpy as np

NUM_USERS = 1000000
NUM_ITEMS = 1000000
EMB_DIM = 32
BATCH = 16384


def setup_inputs(seed: int = 0) -> dict:
    key = jax.random.key(seed)
    k1, k2, k3, k4, k5, k6 = jax.random.split(key, 6)
    user_idx = jax.random.randint(k1, (BATCH,), 0, NUM_USERS, dtype=jnp.int64 if jax.config.jax_enable_x64 else jnp.int32)
    item_idx = jax.random.randint(k2, (BATCH,), 0, NUM_ITEMS, dtype=jnp.int64 if jax.config.jax_enable_x64 else jnp.int32)
    # Xavier-uniform init for embedding tables
    lim_u = float(np.sqrt(6.0 / (NUM_USERS + EMB_DIM)))
    lim_i = float(np.sqrt(6.0 / (NUM_ITEMS + EMB_DIM)))
    user_table = jax.random.uniform(k3, (NUM_USERS, EMB_DIM), minval=-lim_u, maxval=lim_u, dtype=jnp.float32)
    item_table = jax.random.uniform(k4, (NUM_ITEMS, EMB_DIM), minval=-lim_i, maxval=lim_i, dtype=jnp.float32)
    # MLP head: Linear(32,16) -> ReLU -> Linear(16,1) -> Sigmoid
    lim1 = float(np.sqrt(1.0 / EMB_DIM))
    W1 = jax.random.uniform(k5, (EMB_DIM, 16), minval=-lim1, maxval=lim1, dtype=jnp.float32)
    b1 = jnp.zeros((16,), dtype=jnp.float32)
    lim2 = float(np.sqrt(1.0 / 16))
    W2 = jax.random.uniform(k6, (16, 1), minval=-lim2, maxval=lim2, dtype=jnp.float32)
    b2 = jnp.zeros((1,), dtype=jnp.float32)
    return {
        "user_idx": user_idx,
        "item_idx": item_idx,
        "user_table": user_table,
        "item_table": item_table,
        "W1": W1,
        "b1": b1,
        "W2": W2,
        "b2": b2,
    }


def reference(user_idx, item_idx, user_table, item_table, W1, b1, W2, b2):
    u = jnp.take(user_table, user_idx, axis=0)   # [B, emb_dim] gather
    v = jnp.take(item_table, item_idx, axis=0)   # [B, emb_dim] gather
    x = u * v
    h = jax.nn.relu(x @ W1 + b1)
    out = jax.nn.sigmoid(h @ W2 + b2)
    return jnp.squeeze(out, axis=-1)

if __name__ == "__main__":
    import jax
    _d = setup_inputs()
    print(jax.jit(kernel)(*tuple(_d.values())))

</pallas_src>

<mosaic_0001>
#map = affine_map<(d0, d1) -> (0, 0)>
module attributes {stable_mosaic.version = 14 : i64} {
  func.func @_sc_gather_mul(%arg0: i32, %arg1: i32, %arg2: memref<128x128xi32, #tpu.memory_space<hbm>>, %arg3: memref<128x128xi32, #tpu.memory_space<hbm>>, %arg4: memref<1000000x32xf32, #tpu.memory_space<hbm>>, %arg5: memref<1000000x32xf32, #tpu.memory_space<hbm>>, %arg6: memref<16384x32xf32, #tpu.memory_space<hbm>>, %arg7: memref<4x128xi32, #tpu.memory_space<vmem>>, %arg8: memref<4x128xi32, #tpu.memory_space<vmem>>, %arg9: memref<512x32xf32, #tpu.memory_space<vmem>>, %arg10: memref<512x32xf32, #tpu.memory_space<vmem>>, %arg11: memref<!tpu.dma_semaphore, #tpu.memory_space<semaphore_mem>>, %arg12: memref<!tpu.dma_semaphore, #tpu.memory_space<semaphore_mem>>) attributes {dimension_semantics = [#tpu.dimension_semantics<core_parallel>, #tpu.dimension_semantics<subcore_parallel>], iteration_bounds = array<i64: 2, 16>, scalar_prefetch = 0 : i64, scratch_operands = 6 : i64, tpu.core_type = #tpu.core_type<sc_vector_subcore>, window_params = [{transform_indices = #map}, {transform_indices = #map}, {transform_indices = #map}, {transform_indices = #map}, {transform_indices = #map}]} {
    %mul3A = arith.constant 2 : i32
    %mul3A_0 = arith.muli %arg1, %mul3A : i32
    %add3A = arith.addi %mul3A_0, %arg0 : i32
    %mul3A_1 = arith.constant 4 : i32
    %mul3A_2 = arith.muli %add3A, %mul3A_1 : i32
    "tpu.region"() ({
      %run_scoped3A = tpu.sem_alloc : memref<!tpu.dma_semaphore, #tpu.memory_space<semaphore_mem>>
      %dma_start3A_168 = arith.constant 0 : i32
      %dma_start3A_169 = tpu.memref_slice %arg2[%mul3A_2, %dma_start3A_168] : memref<128x128xi32, #tpu.memory_space<hbm>> -> memref<4x128xi32, #tpu.memory_space<hbm>>
      %dma_start3A_170 = arith.constant 0 : i32
      %dma_start3A_171 = tpu.memref_slice %arg2[%mul3A_2, %dma_start3A_170] : memref<128x128xi32, #tpu.memory_space<hbm>> -> memref<4x128xi32, #tpu.memory_space<hbm>>
      tpu.enqueue_dma source(%dma_start3A_171 : memref<4x128xi32, #tpu.memory_space<hbm>>) target(%arg7 : memref<4x128xi32, #tpu.memory_space<vmem>>) target_semaphore(%run_scoped3A : memref<!tpu.dma_semaphore, #tpu.memory_space<semaphore_mem>>)
      %dma_wait3A_172 = arith.constant 0 : i32
      %dma_wait3A_173 = tpu.memref_slice %arg2[%mul3A_2, %dma_wait3A_172] : memref<128x128xi32, #tpu.memory_space<hbm>> -> memref<4x128xi32, #tpu.memory_space<hbm>>
      %dma_wait3A_174 = arith.constant 0 : i32
      %dma_wait3A_175 = tpu.memref_slice %arg2[%mul3A_2, %dma_wait3A_174] : memref<128x128xi32, #tpu.memory_space<hbm>> -> memref<4x128xi32, #tpu.memory_space<hbm>>
      tpu.wait_dma2 semaphore(%run_scoped3A : memref<!tpu.dma_semaphore, #tpu.memory_space<semaphore_mem>>) src(%dma_wait3A_175 : memref<4x128xi32, #tpu.memory_space<hbm>>) dst(%arg7 : memref<4x128xi32, #tpu.memory_space<vmem>>)
      tpu.yield
    }) : () -> ()
    "tpu.region"() ({
      %run_scoped3A = tpu.sem_alloc : memref<!tpu.dma_semaphore, #tpu.memory_space<semaphore_mem>>
      %dma_start3A_168 = arith.constant 0 : i32
      %dma_start3A_169 = tpu.memref_slice %arg3[%mul3A_2, %dma_start3A_168] : memref<128x128xi32, #tpu.memory_space<hbm>> -> memref<4x128xi32, #tpu.memory_space<hbm>>
      %dma_start3A_170 = arith.constant 0 : i32
      %dma_start3A_171 = tpu.memref_slice %arg3[%mul3A_2, %dma_start3A_170] : memref<128x128xi32, #tpu.memory_space<hbm>> -> memref<4x128xi32, #tpu.memory_space<hbm>>
      tpu.enqueue_dma source(%dma_start3A_171 : memref<4x128xi32, #tpu.memory_space<hbm>>) target(%arg8 : memref<4x128xi32, #tpu.memory_space<vmem>>) target_semaphore(%run_scoped3A : memref<!tpu.dma_semaphore, #tpu.memory_space<semaphore_mem>>)
      %dma_wait3A_172 = arith.constant 0 : i32
      %dma_wait3A_173 = tpu.memref_slice %arg3[%mul3A_2, %dma_wait3A_172] : memref<128x128xi32, #tpu.memory_space<hbm>> -> memref<4x128xi32, #tpu.memory_space<hbm>>
      %dma_wait3A_174 = arith.constant 0 : i32
      %dma_wait3A_175 = tpu.memref_slice %arg3[%mul3A_2, %dma_wait3A_174] : memref<128x128xi32, #tpu.memory_space<hbm>> -> memref<4x128xi32, #tpu.memory_space<hbm>>
      tpu.wait_dma2 semaphore(%run_scoped3A : memref<!tpu.dma_semaphore, #tpu.memory_space<semaphore_mem>>) src(%dma_wait3A_175 : memref<4x128xi32, #tpu.memory_space<hbm>>) dst(%arg8 : memref<4x128xi32, #tpu.memory_space<vmem>>)
      tpu.yield
    }) : () -> ()
    %dma_start3A = arith.constant 0 : i32
    %dma_start3A_3 = arith.constant 0 : i32
    %dma_start3A_4 = arith.constant 0 : i32
    %dma_start3A_5 = tpu.memref_slice %arg9[%dma_start3A_3, %dma_start3A_4] : memref<512x32xf32, #tpu.memory_space<vmem>> -> memref<128x32xf32, #tpu.memory_space<vmem>>
    %dma_start3A_6 = arith.constant 0 : i32
    %dma_start3A_7 = tpu.memref_slice %arg7[%dma_start3A, %dma_start3A_6] : memref<4x128xi32, #tpu.memory_space<vmem>> -> memref<1x128xi32, #tpu.memory_space<vmem>>
    %dma_start3A_8 = tpu.memref_squeeze %dma_start3A_7 : memref<1x128xi32, #tpu.memory_space<vmem>> -> memref<128xi32, #tpu.memory_space<vmem>>
    %dma_start3A_9 = arith.constant 0 : i32
    %dma_start3A_10 = arith.constant 0 : i32
    %dma_start3A_11 = tpu.memref_slice %arg4[%dma_start3A_9, %dma_start3A_10] : memref<1000000x32xf32, #tpu.memory_space<hbm>> -> memref<1000000x32xf32, #tpu.memory_space<hbm>>
    tpu.enqueue_indirect_dma source(%dma_start3A_11 : memref<1000000x32xf32, #tpu.memory_space<hbm>>) target(%dma_start3A_5 : memref<128x32xf32, #tpu.memory_space<vmem>>) offsets(%dma_start3A_8 : memref<128xi32, #tpu.memory_space<vmem>>) semaphore(%arg11 : memref<!tpu.dma_semaphore, #tpu.memory_space<semaphore_mem>>)
    %dma_start3A_12 = arith.constant 1 : i32
    %dma_start3A_13 = arith.constant 128 : i32
    %dma_start3A_14 = arith.constant 0 : i32
    %dma_start3A_15 = tpu.memref_slice %arg9[%dma_start3A_13, %dma_start3A_14] : memref<512x32xf32, #tpu.memory_space<vmem>> -> memref<128x32xf32, #tpu.memory_space<vmem>>
    %dma_start3A_16 = arith.constant 0 : i32
    %dma_start3A_17 = tpu.memref_slice %arg7[%dma_start3A_12, %dma_start3A_16] : memref<4x128xi32, #tpu.memory_space<vmem>> -> memref<1x128xi32, #tpu.memory_space<vmem>>
    %dma_start3A_18 = tpu.memref_squeeze %dma_start3A_17 : memref<1x128xi32, #tpu.memory_space<vmem>> -> memref<128xi32, #tpu.memory_space<vmem>>
    %dma_start3A_19 = arith.constant 0 : i32
    %dma_start3A_20 = arith.constant 0 : i32
    %dma_start3A_21 = tpu.memref_slice %arg4[%dma_start3A_19, %dma_start3A_20] : memref<1000000x32xf32, #tpu.memory_space<hbm>> -> memref<1000000x32xf32, #tpu.memory_space<hbm>>
    tpu.enqueue_indirect_dma source(%dma_start3A_21 : memref<1000000x32xf32, #tpu.memory_space<hbm>>) target(%dma_start3A_15 : memref<128x32xf32, #tpu.memory_space<vmem>>) offsets(%dma_start3A_18 : memref<128xi32, #tpu.memory_space<vmem>>) semaphore(%arg11 : memref<!tpu.dma_semaphore, #tpu.memory_space<semaphore_mem>>)
    %dma_start3A_22 = arith.constant 2 : i32
    %dma_start3A_23 = arith.constant 256 : i32
    %dma_start3A_24 = arith.constant 0 : i32
    %dma_start3A_25 = tpu.memref_slice %arg9[%dma_start3A_23, %dma_start3A_24] : memref<512x32xf32, #tpu.memory_space<vmem>> -> memref<128x32xf32, #tpu.memory_space<vmem>>
    %dma_start3A_26 = arith.constant 0 : i32
    %dma_start3A_27 = tpu.memref_slice %arg7[%dma_start3A_22, %dma_start3A_26] : memref<4x128xi32, #tpu.memory_space<vmem>> -> memref<1x128xi32, #tpu.memory_space<vmem>>
    %dma_start3A_28 = tpu.memref_squeeze %dma_start3A_27 : memref<1x128xi32, #tpu.memory_space<vmem>> -> memref<128xi32, #tpu.memory_space<vmem>>
    %dma_start3A_29 = arith.constant 0 : i32
    %dma_start3A_30 = arith.constant 0 : i32
    %dma_start3A_31 = tpu.memref_slice %arg4[%dma_start3A_29, %dma_start3A_30] : memref<1000000x32xf32, #tpu.memory_space<hbm>> -> memref<1000000x32xf32, #tpu.memory_space<hbm>>
    tpu.enqueue_indirect_dma source(%dma_start3A_31 : memref<1000000x32xf32, #tpu.memory_space<hbm>>) target(%dma_start3A_25 : memref<128x32xf32, #tpu.memory_space<vmem>>) offsets(%dma_start3A_28 : memref<128xi32, #tpu.memory_space<vmem>>) semaphore(%arg11 : memref<!tpu.dma_semaphore, #tpu.memory_space<semaphore_mem>>)
    %dma_start3A_32 = arith.constant 3 : i32
    %dma_start3A_33 = arith.constant 384 : i32
    %dma_start3A_34 = arith.constant 0 : i32
    %dma_start3A_35 = tpu.memref_slice %arg9[%dma_start3A_33, %dma_start3A_34] : memref<512x32xf32, #tpu.memory_space<vmem>> -> memref<128x32xf32, #tpu.memory_space<vmem>>
    %dma_start3A_36 = arith.constant 0 : i32
    %dma_start3A_37 = tpu.memref_slice %arg7[%dma_start3A_32, %dma_start3A_36] : memref<4x128xi32, #tpu.memory_space<vmem>> -> memref<1x128xi32, #tpu.memory_space<vmem>>
    %dma_start3A_38 = tpu.memref_squeeze %dma_start3A_37 : memref<1x128xi32, #tpu.memory_space<vmem>> -> memref<128xi32, #tpu.memory_space<vmem>>
    %dma_start3A_39 = arith.constant 0 : i32
    %dma_start3A_40 = arith.constant 0 : i32
    %dma_start3A_41 = tpu.memref_slice %arg4[%dma_start3A_39, %dma_start3A_40] : memref<1000000x32xf32, #tpu.memory_space<hbm>> -> memref<1000000x32xf32, #tpu.memory_space<hbm>>
    tpu.enqueue_indirect_dma source(%dma_start3A_41 : memref<1000000x32xf32, #tpu.memory_space<hbm>>) target(%dma_start3A_35 : memref<128x32xf32, #tpu.memory_space<vmem>>) offsets(%dma_start3A_38 : memref<128xi32, #tpu.memory_space<vmem>>) semaphore(%arg11 : memref<!tpu.dma_semaphore, #tpu.memory_space<semaphore_mem>>)
    %dma_start3A_42 = arith.constant 0 : i32
    %dma_start3A_43 = arith.constant 0 : i32
    %dma_start3A_44 = arith.constant 0 : i32
    %dma_start3A_45 = tpu.memref_slice %arg10[%dma_start3A_43, %dma_start3A_44] : memref<512x32xf32, #tpu.memory_space<vmem>> -> memref<128x32xf32, #tpu.memory_space<vmem>>
    %dma_start3A_46 = arith.constant 0 : i32
    %dma_start3A_47 = tpu.memref_slice %arg8[%dma_start3A_42, %dma_start3A_46] : memref<4x128xi32, #tpu.memory_space<vmem>> -> memref<1x128xi32, #tpu.memory_space<vmem>>
    %dma_start3A_48 = tpu.memref_squeeze %dma_start3A_47 : memref<1x128xi32, #tpu.memory_space<vmem>> -> memref<128xi32, #tpu.memory_space<vmem>>
    %dma_start3A_49 = arith.constant 0 : i32
    %dma_start3A_50 = arith.constant 0 : i32
    %dma_start3A_51 = tpu.memref_slice %arg5[%dma_start3A_49, %dma_start3A_50] : memref<1000000x32xf32, #tpu.memory_space<hbm>> -> memref<1000000x32xf32, #tpu.memory_space<hbm>>
    tpu.enqueue_indirect_dma source(%dma_start3A_51 : memref<1000000x32xf32, #tpu.memory_space<hbm>>) target(%dma_start3A_45 : memref<128x32xf32, #tpu.memory_space<vmem>>) offsets(%dma_start3A_48 : memref<128xi32, #tpu.memory_space<vmem>>) semaphore(%arg12 : memref<!tpu.dma_semaphore, #tpu.memory_space<semaphore_mem>>)
    %dma_start3A_52 = arith.constant 1 : i32
    %dma_start3A_53 = arith.constant 128 : i32
    %dma_start3A_54 = arith.constant 0 : i32
    %dma_start3A_55 = tpu.memref_slice %arg10[%dma_start3A_53, %dma_start3A_54] : memref<512x32xf32, #tpu.memory_space<vmem>> -> memref<128x32xf32, #tpu.memory_space<vmem>>
    %dma_start3A_56 = arith.constant 0 : i32
    %dma_start3A_57 = tpu.memref_slice %arg8[%dma_start3A_52, %dma_start3A_56] : memref<4x128xi32, #tpu.memory_space<vmem>> -> memref<1x128xi32, #tpu.memory_space<vmem>>
    %dma_start3A_58 = tpu.memref_squeeze %dma_start3A_57 : memref<1x128xi32, #tpu.memory_space<vmem>> -> memref<128xi32, #tpu.memory_space<vmem>>
    %dma_start3A_59 = arith.constant 0 : i32
    %dma_start3A_60 = arith.constant 0 : i32
    %dma_start3A_61 = tpu.memref_slice %arg5[%dma_start3A_59, %dma_start3A_60] : memref<1000000x32xf32, #tpu.memory_space<hbm>> -> memref<1000000x32xf32, #tpu.memory_space<hbm>>
    tpu.enqueue_indirect_dma source(%dma_start3A_61 : memref<1000000x32xf32, #tpu.memory_space<hbm>>) target(%dma_start3A_55 : memref<128x32xf32, #tpu.memory_space<vmem>>) offsets(%dma_start3A_58 : memref<128xi32, #tpu.memory_space<vmem>>) semaphore(%arg12 : memref<!tpu.dma_semaphore, #tpu.memory_space<semaphore_mem>>)
    %dma_start3A_62 = arith.constant 2 : i32
    %dma_start3A_63 = arith.constant 256 : i32
    %dma_start3A_64 = arith.constant 0 : i32
    %dma_start3A_65 = tpu.memref_slice %arg10[%dma_start3A_63, %dma_start3A_64] : memref<512x32xf32, #tpu.memory_space<vmem>> -> memref<128x32xf32, #tpu.memory_space<vmem>>
    %dma_start3A_66 = arith.constant 0 : i32
    %dma_start3A_67 = tpu.memref_slice %arg8[%dma_start3A_62, %dma_start3A_66] : memref<4x128xi32, #tpu.memory_space<vmem>> -> memref<1x128xi32, #tpu.memory_space<vmem>>
    %dma_start3A_68 = tpu.memref_squeeze %dma_start3A_67 : memref<1x128xi32, #tpu.memory_space<vmem>> -> memref<128xi32, #tpu.memory_space<vmem>>
    %dma_start3A_69 = arith.constant 0 : i32
    %dma_start3A_70 = arith.constant 0 : i32
    %dma_start3A_71 = tpu.memref_slice %arg5[%dma_start3A_69, %dma_start3A_70] : memref<1000000x32xf32, #tpu.memory_space<hbm>> -> memref<1000000x32xf32, #tpu.memory_space<hbm>>
    tpu.enqueue_indirect_dma source(%dma_start3A_71 : memref<1000000x32xf32, #tpu.memory_space<hbm>>) target(%dma_start3A_65 : memref<128x32xf32, #tpu.memory_space<vmem>>) offsets(%dma_start3A_68 : memref<128xi32, #tpu.memory_space<vmem>>) semaphore(%arg12 : memref<!tpu.dma_semaphore, #tpu.memory_space<semaphore_mem>>)
    %dma_start3A_72 = arith.constant 3 : i32
    %dma_start3A_73 = arith.constant 384 : i32
    %dma_start3A_74 = arith.constant 0 : i32
    %dma_start3A_75 = tpu.memref_slice %arg10[%dma_start3A_73, %dma_start3A_74] : memref<512x32xf32, #tpu.memory_space<vmem>> -> memref<128x32xf32, #tpu.memory_space<vmem>>
    %dma_start3A_76 = arith.constant 0 : i32
    %dma_start3A_77 = tpu.memref_slice %arg8[%dma_start3A_72, %dma_start3A_76] : memref<4x128xi32, #tpu.memory_space<vmem>> -> memref<1x128xi32, #tpu.memory_space<vmem>>
    %dma_start3A_78 = tpu.memref_squeeze %dma_start3A_77 : memref<1x128xi32, #tpu.memory_space<vmem>> -> memref<128xi32, #tpu.memory_space<vmem>>
    %dma_start3A_79 = arith.constant 0 : i32
    %dma_start3A_80 = arith.constant 0 : i32
    %dma_start3A_81 = tpu.memref_slice %arg5[%dma_start3A_79, %dma_start3A_80] : memref<1000000x32xf32, #tpu.memory_space<hbm>> -> memref<1000000x32xf32, #tpu.memory_space<hbm>>
    tpu.enqueue_indirect_dma source(%dma_start3A_81 : memref<1000000x32xf32, #tpu.memory_space<hbm>>) target(%dma_start3A_75 : memref<128x32xf32, #tpu.memory_space<vmem>>) offsets(%dma_start3A_78 : memref<128xi32, #tpu.memory_space<vmem>>) semaphore(%arg12 : memref<!tpu.dma_semaphore, #tpu.memory_space<semaphore_mem>>)
    %dma_wait3A = arith.constant 0 : i32
    %dma_wait3A_82 = arith.constant 0 : i32
    %dma_wait3A_83 = arith.constant 0 : i32
    %dma_wait3A_84 = tpu.memref_slice %arg9[%dma_wait3A_82, %dma_wait3A_83] : memref<512x32xf32, #tpu.memory_space<vmem>> -> memref<128x32xf32, #tpu.memory_space<vmem>>
    %dma_wait3A_85 = arith.constant 0 : i32
    %dma_wait3A_86 = tpu.memref_slice %arg7[%dma_wait3A, %dma_wait3A_85] : memref<4x128xi32, #tpu.memory_space<vmem>> -> memref<1x128xi32, #tpu.memory_space<vmem>>
    %dma_wait3A_87 = tpu.memref_squeeze %dma_wait3A_86 : memref<1x128xi32, #tpu.memory_space<vmem>> -> memref<128xi32, #tpu.memory_space<vmem>>
    %dma_wait3A_88 = arith.constant 0 : i32
    %dma_wait3A_89 = arith.constant 0 : i32
    %dma_wait3A_90 = tpu.memref_slice %arg4[%dma_wait3A_88, %dma_wait3A_89] : memref<1000000x32xf32, #tpu.memory_space<hbm>> -> memref<1000000x32xf32, #tpu.memory_space<hbm>>
    tpu.wait_indirect_dma semaphore(%arg11 : memref<!tpu.dma_semaphore, #tpu.memory_space<semaphore_mem>>) src(%dma_wait3A_90 : memref<1000000x32xf32, #tpu.memory_space<hbm>>) dst(%dma_wait3A_84 : memref<128x32xf32, #tpu.memory_space<vmem>>)
    %dma_wait3A_91 = arith.constant 1 : i32
    %dma_wait3A_92 = arith.constant 128 : i32
    %dma_wait3A_93 = arith.constant 0 : i32
    %dma_wait3A_94 = tpu.memref_slice %arg9[%dma_wait3A_92, %dma_wait3A_93] : memref<512x32xf32, #tpu.memory_space<vmem>> -> memref<128x32xf32, #tpu.memory_space<vmem>>
    %dma_wait3A_95 = arith.constant 0 : i32
    %dma_wait3A_96 = tpu.memref_slice %arg7[%dma_wait3A_91, %dma_wait3A_95] : memref<4x128xi32, #tpu.memory_space<vmem>> -> memref<1x128xi32, #tpu.memory_space<vmem>>
    %dma_wait3A_97 = tpu.memref_squeeze %dma_wait3A_96 : memref<1x128xi32, #tpu.memory_space<vmem>> -> memref<128xi32, #tpu.memory_space<vmem>>
    %dma_wait3A_98 = arith.constant 0 : i32
    %dma_wait3A_99 = arith.constant 0 : i32
    %dma_wait3A_100 = tpu.memref_slice %arg4[%dma_wait3A_98, %dma_wait3A_99] : memref<1000000x32xf32, #tpu.memory_space<hbm>> -> memref<1000000x32xf32, #tpu.memory_space<hbm>>
    tpu.wait_indirect_dma semaphore(%arg11 : memref<!tpu.dma_semaphore, #tpu.memory_space<semaphore_mem>>) src(%dma_wait3A_100 : memref<1000000x32xf32, #tpu.memory_space<hbm>>) dst(%dma_wait3A_94 : memref<128x32xf32, #tpu.memory_space<vmem>>)
    %dma_wait3A_101 = arith.constant 2 : i32
    %dma_wait3A_102 = arith.constant 256 : i32
    %dma_wait3A_103 = arith.constant 0 : i32
    %dma_wait3A_104 = tpu.memref_slice %arg9[%dma_wait3A_102, %dma_wait3A_103] : memref<512x32xf32, #tpu.memory_space<vmem>> -> memref<128x32xf32, #tpu.memory_space<vmem>>
    %dma_wait3A_105 = arith.constant 0 : i32
    %dma_wait3A_106 = tpu.memref_slice %arg7[%dma_wait3A_101, %dma_wait3A_105] : memref<4x128xi32, #tpu.memory_space<vmem>> -> memref<1x128xi32, #tpu.memory_space<vmem>>
    %dma_wait3A_107 = tpu.memref_squeeze %dma_wait3A_106 : memref<1x128xi32, #tpu.memory_space<vmem>> -> memref<128xi32, #tpu.memory_space<vmem>>
    %dma_wait3A_108 = arith.constant 0 : i32
    %dma_wait3A_109 = arith.constant 0 : i32
    %dma_wait3A_110 = tpu.memref_slice %arg4[%dma_wait3A_108, %dma_wait3A_109] : memref<1000000x32xf32, #tpu.memory_space<hbm>> -> memref<1000000x32xf32, #tpu.memory_space<hbm>>
    tpu.wait_indirect_dma semaphore(%arg11 : memref<!tpu.dma_semaphore, #tpu.memory_space<semaphore_mem>>) src(%dma_wait3A_110 : memref<1000000x32xf32, #tpu.memory_space<hbm>>) dst(%dma_wait3A_104 : memref<128x32xf32, #tpu.memory_space<vmem>>)
    %dma_wait3A_111 = arith.constant 3 : i32
    %dma_wait3A_112 = arith.constant 384 : i32
    %dma_wait3A_113 = arith.constant 0 : i32
    %dma_wait3A_114 = tpu.memref_slice %arg9[%dma_wait3A_112, %dma_wait3A_113] : memref<512x32xf32, #tpu.memory_space<vmem>> -> memref<128x32xf32, #tpu.memory_space<vmem>>
    %dma_wait3A_115 = arith.constant 0 : i32
    %dma_wait3A_116 = tpu.memref_slice %arg7[%dma_wait3A_111, %dma_wait3A_115] : memref<4x128xi32, #tpu.memory_space<vmem>> -> memref<1x128xi32, #tpu.memory_space<vmem>>
    %dma_wait3A_117 = tpu.memref_squeeze %dma_wait3A_116 : memref<1x128xi32, #tpu.memory_space<vmem>> -> memref<128xi32, #tpu.memory_space<vmem>>
    %dma_wait3A_118 = arith.constant 0 : i32
    %dma_wait3A_119 = arith.constant 0 : i32
    %dma_wait3A_120 = tpu.memref_slice %arg4[%dma_wait3A_118, %dma_wait3A_119] : memref<1000000x32xf32, #tpu.memory_space<hbm>> -> memref<1000000x32xf32, #tpu.memory_space<hbm>>
    tpu.wait_indirect_dma semaphore(%arg11 : memref<!tpu.dma_semaphore, #tpu.memory_space<semaphore_mem>>) src(%dma_wait3A_120 : memref<1000000x32xf32, #tpu.memory_space<hbm>>) dst(%dma_wait3A_114 : memref<128x32xf32, #tpu.memory_space<vmem>>)
    %dma_wait3A_121 = arith.constant 0 : i32
    %dma_wait3A_122 = arith.constant 0 : i32
    %dma_wait3A_123 = arith.constant 0 : i32
    %dma_wait3A_124 = tpu.memref_slice %arg10[%dma_wait3A_122, %dma_wait3A_123] : memref<512x32xf32, #tpu.memory_space<vmem>> -> memref<128x32xf32, #tpu.memory_space<vmem>>
    %dma_wait3A_125 = arith.constant 0 : i32
    %dma_wait3A_126 = tpu.memref_slice %arg8[%dma_wait3A_121, %dma_wait3A_125] : memref<4x128xi32, #tpu.memory_space<vmem>> -> memref<1x128xi32, #tpu.memory_space<vmem>>
    %dma_wait3A_127 = tpu.memref_squeeze %dma_wait3A_126 : memref<1x128xi32, #tpu.memory_space<vmem>> -> memref<128xi32, #tpu.memory_space<vmem>>
    %dma_wait3A_128 = arith.constant 0 : i32
    %dma_wait3A_129 = arith.constant 0 : i32
    %dma_wait3A_130 = tpu.memref_slice %arg5[%dma_wait3A_128, %dma_wait3A_129] : memref<1000000x32xf32, #tpu.memory_space<hbm>> -> memref<1000000x32xf32, #tpu.memory_space<hbm>>
    tpu.wait_indirect_dma semaphore(%arg12 : memref<!tpu.dma_semaphore, #tpu.memory_space<semaphore_mem>>) src(%dma_wait3A_130 : memref<1000000x32xf32, #tpu.memory_space<hbm>>) dst(%dma_wait3A_124 : memref<128x32xf32, #tpu.memory_space<vmem>>)
    %dma_wait3A_131 = arith.constant 1 : i32
    %dma_wait3A_132 = arith.constant 128 : i32
    %dma_wait3A_133 = arith.constant 0 : i32
    %dma_wait3A_134 = tpu.memref_slice %arg10[%dma_wait3A_132, %dma_wait3A_133] : memref<512x32xf32, #tpu.memory_space<vmem>> -> memref<128x32xf32, #tpu.memory_space<vmem>>
    %dma_wait3A_135 = arith.constant 0 : i32
    %dma_wait3A_136 = tpu.memref_slice %arg8[%dma_wait3A_131, %dma_wait3A_135] : memref<4x128xi32, #tpu.memory_space<vmem>> -> memref<1x128xi32, #tpu.memory_space<vmem>>
    %dma_wait3A_137 = tpu.memref_squeeze %dma_wait3A_136 : memref<1x128xi32, #tpu.memory_space<vmem>> -> memref<128xi32, #tpu.memory_space<vmem>>
    %dma_wait3A_138 = arith.constant 0 : i32
    %dma_wait3A_139 = arith.constant 0 : i32
    %dma_wait3A_140 = tpu.memref_slice %arg5[%dma_wait3A_138, %dma_wait3A_139] : memref<1000000x32xf32, #tpu.memory_space<hbm>> -> memref<1000000x32xf32, #tpu.memory_space<hbm>>
    tpu.wait_indirect_dma semaphore(%arg12 : memref<!tpu.dma_semaphore, #tpu.memory_space<semaphore_mem>>) src(%dma_wait3A_140 : memref<1000000x32xf32, #tpu.memory_space<hbm>>) dst(%dma_wait3A_134 : memref<128x32xf32, #tpu.memory_space<vmem>>)
    %dma_wait3A_141 = arith.constant 2 : i32
    %dma_wait3A_142 = arith.constant 256 : i32
    %dma_wait3A_143 = arith.constant 0 : i32
    %dma_wait3A_144 = tpu.memref_slice %arg10[%dma_wait3A_142, %dma_wait3A_143] : memref<512x32xf32, #tpu.memory_space<vmem>> -> memref<128x32xf32, #tpu.memory_space<vmem>>
    %dma_wait3A_145 = arith.constant 0 : i32
    %dma_wait3A_146 = tpu.memref_slice %arg8[%dma_wait3A_141, %dma_wait3A_145] : memref<4x128xi32, #tpu.memory_space<vmem>> -> memref<1x128xi32, #tpu.memory_space<vmem>>
    %dma_wait3A_147 = tpu.memref_squeeze %dma_wait3A_146 : memref<1x128xi32, #tpu.memory_space<vmem>> -> memref<128xi32, #tpu.memory_space<vmem>>
    %dma_wait3A_148 = arith.constant 0 : i32
    %dma_wait3A_149 = arith.constant 0 : i32
    %dma_wait3A_150 = tpu.memref_slice %arg5[%dma_wait3A_148, %dma_wait3A_149] : memref<1000000x32xf32, #tpu.memory_space<hbm>> -> memref<1000000x32xf32, #tpu.memory_space<hbm>>
    tpu.wait_indirect_dma semaphore(%arg12 : memref<!tpu.dma_semaphore, #tpu.memory_space<semaphore_mem>>) src(%dma_wait3A_150 : memref<1000000x32xf32, #tpu.memory_space<hbm>>) dst(%dma_wait3A_144 : memref<128x32xf32, #tpu.memory_space<vmem>>)
    %dma_wait3A_151 = arith.constant 3 : i32
    %dma_wait3A_152 = arith.constant 384 : i32
    %dma_wait3A_153 = arith.constant 0 : i32
    %dma_wait3A_154 = tpu.memref_slice %arg10[%dma_wait3A_152, %dma_wait3A_153] : memref<512x32xf32, #tpu.memory_space<vmem>> -> memref<128x32xf32, #tpu.memory_space<vmem>>
    %dma_wait3A_155 = arith.constant 0 : i32
    %dma_wait3A_156 = tpu.memref_slice %arg8[%dma_wait3A_151, %dma_wait3A_155] : memref<4x128xi32, #tpu.memory_space<vmem>> -> memref<1x128xi32, #tpu.memory_space<vmem>>
    %dma_wait3A_157 = tpu.memref_squeeze %dma_wait3A_156 : memref<1x128xi32, #tpu.memory_space<vmem>> -> memref<128xi32, #tpu.memory_space<vmem>>
    %dma_wait3A_158 = arith.constant 0 : i32
    %dma_wait3A_159 = arith.constant 0 : i32
    %dma_wait3A_160 = tpu.memref_slice %arg5[%dma_wait3A_158, %dma_wait3A_159] : memref<1000000x32xf32, #tpu.memory_space<hbm>> -> memref<1000000x32xf32, #tpu.memory_space<hbm>>
    tpu.wait_indirect_dma semaphore(%arg12 : memref<!tpu.dma_semaphore, #tpu.memory_space<semaphore_mem>>) src(%dma_wait3A_160 : memref<1000000x32xf32, #tpu.memory_space<hbm>>) dst(%dma_wait3A_154 : memref<128x32xf32, #tpu.memory_space<vmem>>)
    %scan3A = arith.constant 0 : i32
    %scan3A_161 = arith.constant 0 : i32
    %scan3A_162 = arith.constant 512 : i32
    %scan3A_163 = arith.addi %scan3A_161, %scan3A_162 : i32
    %scan3A_164 = arith.constant 4 : i32
    scf.for %scan3A_168 = %scan3A_161 to %scan3A_163 step %scan3A_164  : i32 {
      %get3A = arith.index_cast %scan3A_168 : i32 to index
      %get3A_169 = arith.constant 0 : index
      %get3A_170 = tpu.vector_load %arg9[%get3A, %get3A_169] {strides = array<i32>} : memref<512x32xf32, #tpu.memory_space<vmem>>, vector<1x16xf32>,
      %get3A_171 = vector.shape_cast %get3A_170 : vector<1x16xf32> to vector<16xf32>
      %get3A_172 = arith.index_cast %scan3A_168 : i32 to index
      %get3A_173 = arith.constant 0 : index
      %get3A_174 = tpu.vector_load %arg10[%get3A_172, %get3A_173] {strides = array<i32>} : memref<512x32xf32, #tpu.memory_space<vmem>>, vector<1x16xf32>,
      %get3A_175 = vector.shape_cast %get3A_174 : vector<1x16xf32> to vector<16xf32>
      %mul3A_176 = arith.mulf %get3A_171, %get3A_175 : vector<16xf32>
      %swap3A = arith.index_cast %scan3A_168 : i32 to index
      %swap3A_177 = arith.constant 0 : index
      %swap3A_178 = tpu.vector_load %arg9[%swap3A, %swap3A_177] {strides = array<i32>} : memref<512x32xf32, #tpu.memory_space<vmem>>, vector<1x16xf32>,
      %swap3A_179 = vector.shape_cast %swap3A_178 : vector<1x16xf32> to vector<16xf32>
      %swap3A_180 = vector.shape_cast %mul3A_176 : vector<16xf32> to vector<1x16xf32>
      tpu.vector_store %arg9[%swap3A, %swap3A_177], %swap3A_180 {strides = array<i32>} : memref<512x32xf32, #tpu.memory_space<vmem>>, vector<1x16xf32>,
      %get3A_181 = arith.index_cast %scan3A_168 : i32 to index
      %get3A_182 = arith.constant 16 : index
      %get3A_183 = tpu.vector_load %arg9[%get3A_181, %get3A_182] {strides = array<i32>} : memref<512x32xf32, #tpu.memory_space<vmem>>, vector<1x16xf32>,
      %get3A_184 = vector.shape_cast %get3A_183 : vector<1x16xf32> to vector<16xf32>
      %get3A_185 = arith.index_cast %scan3A_168 : i32 to index
      %get3A_186 = arith.constant 16 : index
      %get3A_187 = tpu.vector_load %arg10[%get3A_185, %get3A_186] {strides = array<i32>} : memref<512x32xf32, #tpu.memory_space<vmem>>, vector<1x16xf32>,
      %get3A_188 = vector.shape_cast %get3A_187 : vector<1x16xf32> to vector<16xf32>
      %mul3A_189 = arith.mulf %get3A_184, %get3A_188 : vector<16xf32>
      %swap3A_190 = arith.index_cast %scan3A_168 : i32 to index
      %swap3A_191 = arith.constant 16 : index
      %swap3A_192 = tpu.vector_load %arg9[%swap3A_190, %swap3A_191] {strides = array<i32>} : memref<512x32xf32, #tpu.memory_space<vmem>>, vector<1x16xf32>,
      %swap3A_193 = vector.shape_cast %swap3A_192 : vector<1x16xf32> to vector<16xf32>
      %swap3A_194 = vector.shape_cast %mul3A_189 : vector<16xf32> to vector<1x16xf32>
      tpu.vector_store %arg9[%swap3A_190, %swap3A_191], %swap3A_194 {strides = array<i32>} : memref<512x32xf32, #tpu.memory_space<vmem>>, vector<1x16xf32>,
      %scan3A_195 = arith.constant 1 : i32
      %scan3A_196 = arith.addi %scan3A_168, %scan3A_195 : i32
      %get3A_197 = arith.index_cast %scan3A_196 : i32 to index
      %get3A_198 = arith.constant 0 : index
      %get3A_199 = tpu.vector_load %arg9[%get3A_197, %get3A_198] {strides = array<i32>} : memref<512x32xf32, #tpu.memory_space<vmem>>, vector<1x16xf32>,
      %get3A_200 = vector.shape_cast %get3A_199 : vector<1x16xf32> to vector<16xf32>
      %get3A_201 = arith.index_cast %scan3A_196 : i32 to index
      %get3A_202 = arith.constant 0 : index
      %get3A_203 = tpu.vector_load %arg10[%get3A_201, %get3A_202] {strides = array<i32>} : memref<512x32xf32, #tpu.memory_space<vmem>>, vector<1x16xf32>,
      %get3A_204 = vector.shape_cast %get3A_203 : vector<1x16xf32> to vector<16xf32>
      %mul3A_205 = arith.mulf %get3A_200, %get3A_204 : vector<16xf32>
      %swap3A_206 = arith.index_cast %scan3A_196 : i32 to index
      %swap3A_207 = arith.constant 0 : index
      %swap3A_208 = tpu.vector_load %arg9[%swap3A_206, %swap3A_207] {strides = array<i32>} : memref<512x32xf32, #tpu.memory_space<vmem>>, vector<1x16xf32>,
      %swap3A_209 = vector.shape_cast %swap3A_208 : vector<1x16xf32> to vector<16xf32>
      %swap3A_210 = vector.shape_cast %mul3A_205 : vector<16xf32> to vector<1x16xf32>
      tpu.vector_store %arg9[%swap3A_206, %swap3A_207], %swap3A_210 {strides = array<i32>} : memref<512x32xf32, #tpu.memory_space<vmem>>, vector<1x16xf32>,
      %get3A_211 = arith.index_cast %scan3A_196 : i32 to index
      %get3A_212 = arith.constant 16 : index
      %get3A_213 = tpu.vector_load %arg9[%get3A_211, %get3A_212] {strides = array<i32>} : memref<512x32xf32, #tpu.memory_space<vmem>>, vector<1x16xf32>,
      %get3A_214 = vector.shape_cast %get3A_213 : vector<1x16xf32> to vector<16xf32>
      %get3A_215 = arith.index_cast %scan3A_196 : i32 to index
      %get3A_216 = arith.constant 16 : index
      %get3A_217 = tpu.vector_load %arg10[%get3A_215, %get3A_216] {strides = array<i32>} : memref<512x32xf32, #tpu.memory_space<vmem>>, vector<1x16xf32>,
      %get3A_218 = vector.shape_cast %get3A_217 : vector<1x16xf32> to vector<16xf32>
      %mul3A_219 = arith.mulf %get3A_214, %get3A_218 : vector<16xf32>
      %swap3A_220 = arith.index_cast %scan3A_196 : i32 to index
      %swap3A_221 = arith.constant 16 : index
      %swap3A_222 = tpu.vector_load %arg9[%swap3A_220, %swap3A_221] {strides = array<i32>} : memref<512x32xf32, #tpu.memory_space<vmem>>, vector<1x16xf32>,
      %swap3A_223 = vector.shape_cast %swap3A_222 : vector<1x16xf32> to vector<16xf32>
      %swap3A_224 = vector.shape_cast %mul3A_219 : vector<16xf32> to vector<1x16xf32>
      tpu.vector_store %arg9[%swap3A_220, %swap3A_221], %swap3A_224 {strides = array<i32>} : memref<512x32xf32, #tpu.memory_space<vmem>>, vector<1x16xf32>,
      %scan3A_225 = arith.constant 2 : i32
      %scan3A_226 = arith.addi %scan3A_168, %scan3A_225 : i32
      %get3A_227 = arith.index_cast %scan3A_226 : i32 to index
      %get3A_228 = arith.constant 0 : index
      %get3A_229 = tpu.vector_load %arg9[%get3A_227, %get3A_228] {strides = array<i32>} : memref<512x32xf32, #tpu.memory_space<vmem>>, vector<1x16xf32>,
      %get3A_230 = vector.shape_cast %get3A_229 : vector<1x16xf32> to vector<16xf32>
      %get3A_231 = arith.index_cast %scan3A_226 : i32 to index
      %get3A_232 = arith.constant 0 : index
      %get3A_233 = tpu.vector_load %arg10[%get3A_231, %get3A_232] {strides = array<i32>} : memref<512x32xf32, #tpu.memory_space<vmem>>, vector<1x16xf32>,
      %get3A_234 = vector.shape_cast %get3A_233 : vector<1x16xf32> to vector<16xf32>
      %mul3A_235 = arith.mulf %get3A_230, %get3A_234 : vector<16xf32>
      %swap3A_236 = arith.index_cast %scan3A_226 : i32 to index
      %swap3A_237 = arith.constant 0 : index
      %swap3A_238 = tpu.vector_load %arg9[%swap3A_236, %swap3A_237] {strides = array<i32>} : memref<512x32xf32, #tpu.memory_space<vmem>>, vector<1x16xf32>,
      %swap3A_239 = vector.shape_cast %swap3A_238 : vector<1x16xf32> to vector<16xf32>
      %swap3A_240 = vector.shape_cast %mul3A_235 : vector<16xf32> to vector<1x16xf32>
      tpu.vector_store %arg9[%swap3A_236, %swap3A_237], %swap3A_240 {strides = array<i32>} : memref<512x32xf32, #tpu.memory_space<vmem>>, vector<1x16xf32>,
      %get3A_241 = arith.index_cast %scan3A_226 : i32 to index
      %get3A_242 = arith.constant 16 : index
      %get3A_243 = tpu.vector_load %arg9[%get3A_241, %get3A_242] {strides = array<i32>} : memref<512x32xf32, #tpu.memory_space<vmem>>, vector<1x16xf32>,
      %get3A_244 = vector.shape_cast %get3A_243 : vector<1x16xf32> to vector<16xf32>
      %get3A_245 = arith.index_cast %scan3A_226 : i32 to index
      %get3A_246 = arith.constant 16 : index
      %get3A_247 = tpu.vector_load %arg10[%get3A_245, %get3A_246] {strides = array<i32>} : memref<512x32xf32, #tpu.memory_space<vmem>>, vector<1x16xf32>,
      %get3A_248 = vector.shape_cast %get3A_247 : vector<1x16xf32> to vector<16xf32>
      %mul3A_249 = arith.mulf %get3A_244, %get3A_248 : vector<16xf32>
      %swap3A_250 = arith.index_cast %scan3A_226 : i32 to index
      %swap3A_251 = arith.constant 16 : index
      %swap3A_252 = tpu.vector_load %arg9[%swap3A_250, %swap3A_251] {strides = array<i32>} : memref<512x32xf32, #tpu.memory_space<vmem>>, vector<1x16xf32>,
      %swap3A_253 = vector.shape_cast %swap3A_252 : vector<1x16xf32> to vector<16xf32>
      %swap3A_254 = vector.shape_cast %mul3A_249 : vector<16xf32> to vector<1x16xf32>
      tpu.vector_store %arg9[%swap3A_250, %swap3A_251], %swap3A_254 {strides = array<i32>} : memref<512x32xf32, #tpu.memory_space<vmem>>, vector<1x16xf32>,
      %scan3A_255 = arith.constant 3 : i32
      %scan3A_256 = arith.addi %scan3A_168, %scan3A_255 : i32
      %get3A_257 = arith.index_cast %scan3A_256 : i32 to index
      %get3A_258 = arith.constant 0 : index
      %get3A_259 = tpu.vector_load %arg9[%get3A_257, %get3A_258] {strides = array<i32>} : memref<512x32xf32, #tpu.memory_space<vmem>>, vector<1x16xf32>,
      %get3A_260 = vector.shape_cast %get3A_259 : vector<1x16xf32> to vector<16xf32>
      %get3A_261 = arith.index_cast %scan3A_256 : i32 to index
      %get3A_262 = arith.constant 0 : index
      %get3A_263 = tpu.vector_load %arg10[%get3A_261, %get3A_262] {strides = array<i32>} : memref<512x32xf32, #tpu.memory_space<vmem>>, vector<1x16xf32>,
      %get3A_264 = vector.shape_cast %get3A_263 : vector<1x16xf32> to vector<16xf32>
      %mul3A_265 = arith.mulf %get3A_260, %get3A_264 : vector<16xf32>
      %swap3A_266 = arith.index_cast %scan3A_256 : i32 to index
      %swap3A_267 = arith.constant 0 : index
      %swap3A_268 = tpu.vector_load %arg9[%swap3A_266, %swap3A_267] {strides = array<i32>} : memref<512x32xf32, #tpu.memory_space<vmem>>, vector<1x16xf32>,
      %swap3A_269 = vector.shape_cast %swap3A_268 : vector<1x16xf32> to vector<16xf32>
      %swap3A_270 = vector.shape_cast %mul3A_265 : vector<16xf32> to vector<1x16xf32>
      tpu.vector_store %arg9[%swap3A_266, %swap3A_267], %swap3A_270 {strides = array<i32>} : memref<512x32xf32, #tpu.memory_space<vmem>>, vector<1x16xf32>,
      %get3A_271 = arith.index_cast %scan3A_256 : i32 to index
      %get3A_272 = arith.constant 16 : index
      %get3A_273 = tpu.vector_load %arg9[%get3A_271, %get3A_272] {strides = array<i32>} : memref<512x32xf32, #tpu.memory_space<vmem>>, vector<1x16xf32>,
      %get3A_274 = vector.shape_cast %get3A_273 : vector<1x16xf32> to vector<16xf32>
      %get3A_275 = arith.index_cast %scan3A_256 : i32 to index
      %get3A_276 = arith.constant 16 : index
      %get3A_277 = tpu.vector_load %arg10[%get3A_275, %get3A_276] {strides = array<i32>} : memref<512x32xf32, #tpu.memory_space<vmem>>, vector<1x16xf32>,
      %get3A_278 = vector.shape_cast %get3A_277 : vector<1x16xf32> to vector<16xf32>
      %mul3A_279 = arith.mulf %get3A_274, %get3A_278 : vector<16xf32>
      %swap3A_280 = arith.index_cast %scan3A_256 : i32 to index
      %swap3A_281 = arith.constant 16 : index
      %swap3A_282 = tpu.vector_load %arg9[%swap3A_280, %swap3A_281] {strides = array<i32>} : memref<512x32xf32, #tpu.memory_space<vmem>>, vector<1x16xf32>,
      %swap3A_283 = vector.shape_cast %swap3A_282 : vector<1x16xf32> to vector<16xf32>
      %swap3A_284 = vector.shape_cast %mul3A_279 : vector<16xf32> to vector<1x16xf32>
      tpu.vector_store %arg9[%swap3A_280, %swap3A_281], %swap3A_284 {strides = array<i32>} : memref<512x32xf32, #tpu.memory_space<vmem>>, vector<1x16xf32>,
    }
    %scan3A_165 = arith.constant 512 : i32
    %mul3A_166 = arith.constant 512 : i32
    %mul3A_167 = arith.muli %add3A, %mul3A_166 : i32
    "tpu.region"() ({
      %run_scoped3A = tpu.sem_alloc : memref<!tpu.dma_semaphore, #tpu.memory_space<semaphore_mem>>
      %dma_start3A_168 = arith.constant 0 : i32
      %dma_start3A_169 = tpu.memref_slice %arg6[%mul3A_167, %dma_start3A_168] : memref<16384x32xf32, #tpu.memory_space<hbm>> -> memref<512x32xf32, #tpu.memory_space<hbm>>
      %dma_start3A_170 = arith.constant 0 : i32
      %dma_start3A_171 = tpu.memref_slice %arg6[%mul3A_167, %dma_start3A_170] : memref<16384x32xf32, #tpu.memory_space<hbm>> -> memref<512x32xf32, #tpu.memory_space<hbm>>
      tpu.enqueue_dma source(%arg9 : memref<512x32xf32, #tpu.memory_space<vmem>>) target(%dma_start3A_171 : memref<512x32xf32, #tpu.memory_space<hbm>>) target_semaphore(%run_scoped3A : memref<!tpu.dma_semaphore, #tpu.memory_space<semaphore_mem>>)
      %dma_wait3A_172 = arith.constant 0 : i32
      %dma_wait3A_173 = tpu.memref_slice %arg6[%mul3A_167, %dma_wait3A_172] : memref<16384x32xf32, #tpu.memory_space<hbm>> -> memref<512x32xf32, #tpu.memory_space<hbm>>
      %dma_wait3A_174 = arith.constant 0 : i32
      %dma_wait3A_175 = tpu.memref_slice %arg6[%mul3A_167, %dma_wait3A_174] : memref<16384x32xf32, #tpu.memory_space<hbm>> -> memref<512x32xf32, #tpu.memory_space<hbm>>
      tpu.wait_dma2 semaphore(%run_scoped3A : memref<!tpu.dma_semaphore, #tpu.memory_space<semaphore_mem>>) src(%arg9 : memref<512x32xf32, #tpu.memory_space<vmem>>) dst(%dma_wait3A_175 : memref<512x32xf32, #tpu.memory_space<hbm>>)
      tpu.yield
    }) : () -> ()
    return
  }
}

</mosaic_0001>

<sc_bundles>
// kernel: _sc_call.3.cloned.1.call-start
scs
__scs_entry_jumppad:
0x0: {  	(pc) =	sbr.rel $0x88, $3  }
0x1: {  	(tag) =	ssettag $0x0;
	lr =	simm.s32 $0x1  }
0x2: {  	[smem:$0x3F9D] =	sst lr;
	_ =	strace $0xD0000000  }
0x3: {  	_ = 	snop  }
0x4: {  	_ = 	snop  }
0x5: {  	_ = 	snop  }
0x6: {  	_ = 	snop  }
0x7: {  	_ = 	snop  }
__scs_overlays_trampoline_lowered:
0x8: {  	[smem:$0x3FAC] =	sst s0  }
0x9: {  	[smem:$0x3FAD] =	sst s1  }
0xa: {  	[smem:$0x3FAE] =	sst s2  }
0xb: {  	[smem:$0x3FAF] =	sst s3  }
0xc: {  	[smem:$0x3FB0] =	sst s4  }
0xd: {  	[smem:$0x3FB1] =	sst s5  }
0xe: {  	[smem:$0x3FB2] =	sst s6  }
0xf: {  	[smem:$0x3FB3] =	sst s7  }
0x10: {  	[smem:$0x3FB4] =	sst s8  }
0x11: {  	[smem:$0x3FB5] =	sst s9;
	s0 =	simm.s32 @!p0 $0x0  }
0x12: {  	s1 =	sld [smem:$0x3F9B];
	s0 =	simm.s32 @p0 $0x1  }
0x13: {  	[smem:$0x3FB6] =	sst s0;
	s0 =	simm.s32 @!p1 $0x0  }
0x14: {  	s2 =	sld [smem:$0x3F9A];
	s0 =	simm.s32 @p1 $0x1  }
0x15: {  	[smem:$0x3FB7] =	sst s0;
	s0 =	simm.s32 @!p2 $0x0  }
0x16: {  	s3 =	sld [smem:$0x3FDB];
	s0 =	simm.s32 @p2 $0x1  }
0x17: {  	s4 =	simm.s32 $0x1BF5;
	[smem:$0x3FB9] =	sst s0  }
0x18: {  	s0 =	sld [smem:$0x3F9C];
	_ =	swait.ge [sflag:s4], $0x0  }
0x19: {  	s7 =	sld [smem:$0x3F9D]  }
0x1a: {  	s8 =	sadd.s32 $0xFFFFE003, lr  }
0x1b: {  	s9 =	sadd.s32 $0xFFFFFEF7, lr;
	s5 =	simm.s32 $0xFFFFFFFF;
	p2 =	slt.u32 s8, $0xFFFFF086  }
0x1c: {  	p1 =	slt.u32 s9, $0xF7A;
	s5 =	simm.s32 @!p2 $0x0  }
0x1d: {  	s5 =	simm.s32 @p1 $0x1;
	p0 =	seq.s32 s7, s2  }
0x1e: {  	s7 =	smul.u32 @!p0 $0xF7A, s2;
	p2 =	seq.s32 @!p0 s5, $0x0  }
0x1f: {  	s9 =	smul.u32 $0xF7A, s1;
	s8 =	simm.s32 @!p0 $0x1BF5;
	p2 =	por !p2, p0  }
0x20: {  	[sflag:s8] =	ssyncset.s32 @!p0 $0xFFFFF086;
	s6 =	sadd.s32 @!p0 s3, s7;
	s7 =	simm.s32 @!p0 $0x108  }
0x21: {  	s3 =	sadd.s32 s3, s9;
	s6 =	sadd.s32 @!p0 $0x88, s6;
	s7 =	simm.s32 @p2 $0x1082  }
0x22: {  	[simem:s7], [sflag:s8] =	dma.local @!p0 [hbm:s6], $0xF7A  }
0x23: {  	s9 =	sor.u32 $0xD0000000, s2;
	s6 =	simm.s32 $0x108;
	_ =	swait.ge @!p0 [sflag:s8], $0x0  }
0x24: {  	s3 =	sadd.s32 $0x88, s3;
	s6 =	simm.s32 @!p1 $0x1082;
	[sflag:s4] =	ssyncset.s32 $0xFFFFF086  }
0x25: {  	[simem:s6], [sflag:s4] =	dma.local [hbm:s3], $0xF7A  }
0x26: {  	[smem:$0x3F9D] =	sst s1;
	(tag) =	ssettag s2;
	_ =	strace s9  }
0x27: {  	s1 =	sld [smem:$0x3FAD]  }
0x28: {  	s2 =	sld [smem:$0x3FAE]  }
0x29: {  	s4 =	sld [smem:$0x3FB0]  }
0x2a: {  	p0 =	seq.s32 s5, $0x0;
	s5 =	sld [smem:$0x3FB1]  }
0x2b: {  	s6 =	sld [smem:$0x3FB2]  }
0x2c: {  	s7 =	sld [smem:$0x3FB3]  }
0x2d: {  	s3 =	simm.s32 $0x108;
	s8 =	sld [smem:$0x3FB4]  }
0x2e: {  	s3 =	simm.s32 @!p0 $0x1082;
	s9 =	sld [smem:$0x3FB5]  }
0x2f: {  	lr =	sadd.s32 s0, s3;
	s0 =	sld [smem:$0x3FAC]  }
0x30: {  	s3 =	sld [smem:$0x3FAF]  }
0x31: {  	[smem:$0x3FB8] =	sst s10  }
0x32: {  	s10 =	sld [smem:$0x3FB6];
	_ =	sdelay $0x3  }
0x33: {  	p0 =	seq.s32 s10, $0x1;
	s10 =	sld [smem:$0x3FB8];
	_ =	sdelay $0x3  }
0x34: {  	[smem:$0x3FB8] =	sst s10  }
0x35: {  	s10 =	sld [smem:$0x3FB7];
	_ =	sdelay $0x3  }
0x36: {  	p1 =	seq.s32 s10, $0x1;
	s10 =	sld [smem:$0x3FB8];
	_ =	sdelay $0x3  }
0x37: {  	[smem:$0x3FB8] =	sst s10  }
0x38: {  	s10 =	sld [smem:$0x3FB9]  }
0x39: {  	_ = 	snop;
	(pc) =	sbr.ind lr, $3  }
0x3a: {  	_ = 	snop  }
0x3b: {  	_ = 	snop  }
0x3c: {  	p2 =	seq.s32 s10, $0x1;
	s10 =	sld [smem:$0x3FB8]  }
0x3d: {  	_ =	shalt  }
0x3e: {  	_ =	shalt  }
0x3f: {  	_ =	shalt  }
0x40: {  	_ =	shalt  }
0x41: {  	_ =	shalt  }
0x42: {  	_ =	shalt  }
0x43: {  	_ =	shalt  }
0x44: {  	_ =	shalt  }
0x45: {  	_ =	shalt  }
0x46: {  	_ =	shalt  }
0x47: {  	_ =	shalt  }
0x48: {  	_ =	shalt  }
0x49: {  	_ =	shalt  }
0x4a: {  	_ =	shalt  }
0x4b: {  	_ =	shalt  }
0x4c: {  	_ =	shalt  }
0x4d: {  	_ =	shalt  }
0x4e: {  	_ =	shalt  }
0x4f: {  	_ =	shalt  }
0x50: {  	_ =	shalt  }
0x51: {  	_ =	shalt  }
0x52: {  	_ =	shalt  }
0x53: {  	_ =	shalt  }
0x54: {  	_ =	shalt  }
0x55: {  	_ =	shalt  }
0x56: {  	_ =	shalt  }
0x57: {  	_ =	shalt  }
0x58: {  	_ =	shalt  }
0x59: {  	_ =	shalt  }
0x5a: {  	_ =	shalt  }
0x5b: {  	_ =	shalt  }
0x5c: {  	_ =	shalt  }
0x5d: {  	_ =	shalt  }
0x5e: {  	_ =	shalt  }
0x5f: {  	_ =	shalt  }
0x60: {  	_ =	shalt  }
0x61: {  	_ =	shalt  }
0x62: {  	_ =	shalt  }
0x63: {  	_ =	shalt  }
0x64: {  	_ =	shalt  }
0x65: {  	_ =	shalt  }
0x66: {  	_ =	shalt  }
0x67: {  	_ =	shalt  }
0x68: {  	_ =	shalt  }
0x69: {  	_ =	shalt  }
0x6a: {  	_ =	shalt  }
0x6b: {  	_ =	shalt  }
0x6c: {  	_ =	shalt  }
0x6d: {  	_ =	shalt  }
0x6e: {  	_ =	shalt  }
0x6f: {  	_ =	shalt  }
0x70: {  	_ =	shalt  }
0x71: {  	_ =	shalt  }
0x72: {  	_ =	shalt  }
0x73: {  	_ =	shalt  }
0x74: {  	_ =	shalt  }
0x75: {  	_ =	shalt  }
0x76: {  	_ =	shalt  }
0x77: {  	_ =	shalt  }
0x78: {  	_ =	shalt  }
0x79: {  	_ =	shalt  }
0x7a: {  	_ =	shalt  }
0x7b: {  	_ =	shalt  }
0x7c: {  	_ =	shalt  }
0x7d: {  	_ =	shalt  }
0x7e: {  	_ =	shalt  }
0x7f: {  	_ =	shalt  }
0x80: {  	_ =	shalt  }
0x81: {  	_ =	shalt  }
0x82: {  	_ =	shalt  }
0x83: {  	_ =	shalt  }
0x84: {  	_ =	shalt  }
0x85: {  	_ =	shalt  }
0x86: {  	_ =	shalt  }
0x87: {  	_ =	shalt  }
.Lfunc_end0:
.L_simem_size_0:
called_computation_lowered:
.L_overlay_start_0:
0x88: {  	s2 =	sld [smem:$0x3FD9]  }
0x89: {  	s3 =	sld [smem:$0x3FFE];
	_ =	sdelay $0x1  }
0x8a: {  	s1 =	srdreg.scid  }
0x8b: {  	s0 =	sand.u32 $0x1, s1  }
0x8c: {  	s17 =	sshll.u32 s0, $0xA;
	s2 =	sadd.s32 s3, s2  }
0x8d: {  	s2 =	sadd.s32 s2, s17  }
0x8e: {  	[smem:$0x3FC4] =	sst s2  }
0x8f: {  	_ = 	snop  }
0x90: {  	s2 =	sld [smem:$0x3FC9]  }
0x91: {  	s18 =	sld [smem:$0x3FC8]  }
0x92: {  	s4 =	sld [smem:$0x3FD0];
	(tm) =	ssettm $0x1  }
0x93: {  	s5 =	sld [smem:$0x3FFB];
	_ =	sdelay $0x3  }
0x94: {  	_ =	strace s5  }
0x95: {  	s5 =	sld [smem:$0x3FFC];
	_ =	sdelay $0x3  }
0x96: {  	_ =	strace s5  }
0x97: {  	s5 =	sld [smem:$0x3FFD];
	_ =	sdelay $0x3  }
0x98: {  	_ =	strace s5  }
0x99: {  	_ =	strace $0x8FFFFFFF  }
0x9a: {  	s19 =	sld [smem:$0x3FDB];
	_ =	sdelay $0x1  }
0x9b: {  	s6 =	simm.s32 $_scs_section_size  }
0x9c: {  	s7 =	simm.s32 $_size__tile_overlayer_lowered;
	s8 =	simm.s32 $_tile_overlayer_lowered  }
0x9d: {  	s22 =	simm.s32 $0x1BFF;
	s21 =	sshll.u32 s8, $0x1;
	s5 =	sadd.s32 s6, s19  }
0x9e: {  	s9 =	simm.s32 $0x0;
	s20 =	sshll.u32 s7, $0x1;
	s7 =	sadd.s32 s21, s5  }
0x9f: {  	[timem:s9], [sflag:s22] =	dma.local [hbm:s7], s20  }
0xa0: {  	_ =	swait.ge [sflag:s22], s20  }
0xa1: {  	s6 =	ssub.s32 $0x0, s20;
	[sflag:s22] =	ssyncset.done $0x0  }
0xa2: {  	[sflag:s22] =	ssyncadd.s32 s6;
	_ =	sdelay $0x1  }
0xa3: {  	s23 =	simm.s32 $0x1B8B  }
0xa4: {  	_ =	swait.ge [sflag:s23], $0x1  }
0xa5: {  	[sflag:s23] =	ssyncset.done $0x0  }
0xa6: {  	s25 =	simm.s32 $0x1B8E;
	s24 =	sld [smem:$0x3FFE];
	[sflag:s23] =	ssyncadd.s32 $0xFFFFFFFF  }
0xa7: {  	s26 =	simm.s32 $execute0_lowered;
	[smem:$0x3FD2] =	sst s25  }
0xa8: {  	s7 =	sshll.u32 s26, $0x1;
	_ =	strace $0x80000046;
	[dreg:$0x1] =	wrdreg $0xFFFFFFFF  }
0xa9: {  	s28 =	simm.s32 $_size_execute0_lowered;
	s5 =	sadd.s32 s5, s7;
	[dreg:$0x0] =	wrdreg $0x0  }
0xaa: {  	s7 =	sshll.u32 s28, $0x1;
	[dreg:$0x2] =	wrdreg s5  }
0xab: {  	[dreg:$0x3] =	wrdreg s7  }
0xac: {  	[dreg:$0x4] =	wrdreg $0xC0  }
0xad: {  	_ =	task [dreg:s9], $0x5FFFF  }
0xae: {  	[dreg:$0x1] =	wrdreg $0xFFFFFFFF  }
0xaf: {  	[dreg:$0x0] =	wrdreg $0x60  }
0xb0: {  	[dreg:$0x2] =	wrdreg s2  }
0xb1: {  	[dreg:$0x3] =	wrdreg s18  }
0xb2: {  	[dreg:$0x4] =	wrdreg s24  }
0xb3: {  	[dreg:$0x5] =	wrdreg s4  }
0xb4: {  	[dreg:$0x6] =	wrdreg $0x9  }
0xb5: {  	_ =	task.clear_ibuf [dreg:s9], $0x7FFFF;
	_ =	strace $0x90000046  }
0xb6: {  	s29 =	simm.s32 $0x9;
	_ =	strace $0x80000048  }
0xb7: {  	_ =	swait.ge [sflag:s29], $0x1  }
0xb8: {  	[sflag:s29] =	ssyncadd.s32 $0xFFFFFFFF  }
0xb9: {  	_ =	strace $0x90000048  }
0xba: {  	_ =	sfence  }
0xbb: {  	s30 =	sld [smem:$0x0];
	_ =	sdelay $0x2  }
0xbc: {  	s31 =	sshll.u32 s1, $0xD;
	s1 =	sshrl.u32 s1, $0x2  }
0xbd: {  	s3 =	sand.u32 $0x4000, s31;
	s1 =	sadd.s32 s1, s30  }
0xbe: {  	s0 =	sor.u32 s3, s0;
	s1 =	sshll.u32 s1, $0x11  }
0xbf: {  	s0 =	sor.u32 s1, s0  }
0xc0: {  	s0 =	sadd.s32 $0x8F2B, s0  }
0xc1: {  	[sflag:s0] =	ssyncadd.remote.s32 $0x1  }
0xc2: {  	_ =	sfence.sel $0xFFFF  }
0xc3: {  	[dreg:$0x0] =	wrdreg $0xFFFFFFFF;
	(pc) =	sbr.abs _section_cstart, $3  }
0xc4: {  	[dreg:$0x1] =	wrdreg $0xFFFFFFFF  }
0xc5: {  	_ =	task.clear_ibuf [dreg:s9], $0x2FFFF;
	_ =	strace $0x9FFFFFFF  }
0xc6: {  	(tm) =	ssettm $0x7FFFFFFF  }
0xc7: {  	_ =	shalt  }
tec
execute0_lowered:
.L_overlay_start_1:
0x0: {  	(tag) =	ssettag $0x1  }
0x1: {  	s0 =	rddreg [dreg:$0x0]  }
0x2: {  	s6 =	rddreg [dreg:$0x1]  }
0x3: {  	s4 =	rddreg [dreg:$0x2]  }
0x4: {  	s7 =	rddreg [dreg:$0x3];
	s2 =	simm.s32 $0x0;
	s3 =	srdreg.scid  }
0x5: {  	s1 =	stileid.u32;
	s11 =	simm.s32 $0x80;
	s12 =	simm.s32 $0x400  }
0x6: {  	s13 =	simm.s32 $0x1400;
	s14 =	simm.s32 $0x100;
	s15 =	simm.s32 $0x2400  }
0x7: {  	s16 =	simm.s32 $0x180;
	s17 =	simm.s32 $0x3400;
	s18 =	simm.s32 $0x4400  }
0x8: {  	s19 =	simm.s32 $0x280;
	s20 =	simm.s32 $0x5400;
	s21 =	simm.s32 $0x300  }
0x9: {  	s22 =	simm.s32 $0x6400;
	s23 =	simm.s32 $0x380;
	s24 =	simm.s32 $0x7400  }
0xa: {  	s25 =	simm.s32 $0x1;
	s26 =	simm.s32 $0x2;
	s28 =	simm.s32 $0x0  }
0xb: {  	[smem:$0x7FF] =	sst s2;
	s5 =	sand.u32 $0x1, s3;
	s9 =	sshll.u32 s1, $0x1  }
0xc: {  	s3 =	sadd.s32 $0xF42800, s4;
	s4 =	sadd.s32 $0x1313200, s4;
	s8 =	ssub.s32 $0x2, s5  }
0xd: {  	_ =	strace $0x80000047;
	s9 =	sor.u32 s5, s9;
	s10 =	sshrl.u32 s8, $0x1  }
0xe: {  	s30 =	sshll.u32 s9, $0x6;
	s31 =	sshll.u32 s9, $0xB;
	s9 =	simm.s32 $0x3  }
0xf: {  	s8 =	ssub.s32 s8, s10;
	s5 =	sadd.s32 s0, s30;
	s6 =	sadd.s32 s6, s30  }
0x10: {  	s7 =	sadd.s32 s7, s31;
	s10 =	simm.s32 $0x200;
	s8 =	smax.u32 s8, $0x1  }
.LBB2_1:
0x11: {  	[tilespmem:s2], [sflag:$0x3] =	stream.linear.gather [hbm4b:s5+s2], $0x200, $0x38;
	[tilespmem:$0x8400] =	vst v63  }
0x12: {  	_ =	swait.ge [sflag:s9], $0x200  }
0x13: {  	[sflag:s9] =	ssyncset.done $0x0  }
0x14: {  	[sflag:s9] =	ssyncadd.s32 $0xFFFFFE00  }
0x15: {  	[tilespmem:s10], [sflag:$0x3] =	stream.linear.gather [hbm4b:s6+s2], $0x200, $0x38;
	[tilespmem:$0x8400] =	vst v63  }
0x16: {  	_ =	swait.ge [sflag:s9], $0x200  }
0x17: {  	[sflag:s9] =	ssyncset.done $0x0  }
0x18: {  	[sflag:s9] =	ssyncadd.s32 $0xFFFFFE00  }
0x19: {  	[tilespmem:s12], [sflag:$0x1] =	stream.indirect.gather [hbm4b:s3+s11], $0x20, s2, s11, $0xb8;
	[tilespmem:$0x8400] =	vst v63  }
0x1a: {  	_ = 	snop  }
0x1b: {  	[tilespmem:s13], [sflag:$0x1] =	stream.indirect.gather [hbm4b:s3+s11], $0x20, s11, s11, $0xb8;
	[tilespmem:$0x8400] =	vst v63  }
0x1c: {  	_ = 	snop  }
0x1d: {  	[tilespmem:s15], [sflag:$0x1] =	stream.indirect.gather [hbm4b:s3+s11], $0x20, s14, s11, $0xb8;
	[tilespmem:$0x8400] =	vst v63  }
0x1e: {  	_ = 	snop  }
0x1f: {  	[tilespmem:s17], [sflag:$0x1] =	stream.indirect.gather [hbm4b:s3+s11], $0x20, s16, s11, $0xb8;
	[tilespmem:$0x8400] =	vst v63  }
0x20: {  	_ = 	snop  }
0x21: {  	[tilespmem:s18], [sflag:$0x2] =	stream.indirect.gather [hbm4b:s4+s11], $0x20, s10, s11, $0xb8;
	[tilespmem:$0x8400] =	vst v63  }
0x22: {  	_ = 	snop  }
0x23: {  	[tilespmem:s20], [sflag:$0x2] =	stream.indirect.gather [hbm4b:s4+s11], $0x20, s19, s11, $0xb8;
	[tilespmem:$0x8400] =	vst v63  }
0x24: {  	_ = 	snop  }
0x25: {  	[tilespmem:s22], [sflag:$0x2] =	stream.indirect.gather [hbm4b:s4+s11], $0x20, s21, s11, $0xb8;
	[tilespmem:$0x8400] =	vst v63  }
0x26: {  	_ = 	snop  }
0x27: {  	[tilespmem:s24], [sflag:$0x2] =	stream.indirect.gather [hbm4b:s4+s11], $0x20, s23, s11, $0xb8;
	[tilespmem:$0x8400] =	vst v63  }
0x28: {  	_ =	swait.ge [sflag:s25], $0x1000  }
0x29: {  	[sflag:s25] =	ssyncset.done $0x0  }
0x2a: {  	[sflag:s25] =	ssyncadd.s32 $0xFFFFF000  }
0x2b: {  	_ =	swait.ge [sflag:s25], $0x1000  }
0x2c: {  	[sflag:s25] =	ssyncset.done $0x0  }
0x2d: {  	[sflag:s25] =	ssyncadd.s32 $0xFFFFF000  }
0x2e: {  	_ =	swait.ge [sflag:s25], $0x1000  }
0x2f: {  	[sflag:s25] =	ssyncset.done $0x0  }
0x30: {  	[sflag:s25] =	ssyncadd.s32 $0xFFFFF000  }
0x31: {  	_ =	swait.ge [sflag:s25], $0x1000  }
0x32: {  	[sflag:s25] =	ssyncset.done $0x0  }
0x33: {  	[sflag:s25] =	ssyncadd.s32 $0xFFFFF000  }
0x34: {  	_ =	swait.ge [sflag:s26], $0x1000  }
0x35: {  	[sflag:s26] =	ssyncset.done $0x0  }
0x36: {  	[sflag:s26] =	ssyncadd.s32 $0xFFFFF000  }
0x37: {  	_ =	swait.ge [sflag:s26], $0x1000  }
0x38: {  	[sflag:s26] =	ssyncset.done $0x0  }
0x39: {  	[sflag:s26] =	ssyncadd.s32 $0xFFFFF000  }
0x3a: {  	_ =	swait.ge [sflag:s26], $0x1000  }
0x3b: {  	[sflag:s26] =	ssyncset.done $0x0  }
0x3c: {  	[sflag:s26] =	ssyncadd.s32 $0xFFFFF000  }
0x3d: {  	_ =	swait.ge [sflag:s26], $0x1000  }
0x3e: {  	[sflag:s26] =	ssyncset.done $0x0  }
0x3f: {  	s29 =	simm.s32 $0x440;
	[sflag:s26] =	ssyncadd.s32 $0xFFFFF000  }
0x40: {  	s30 =	simm.s32 $0x4440;
	v0 =	vld [tilespmem:s29+$0xFFFFFFC0]  }
0x41: {  	v1 =	vld [tilespmem:s30+$0xFFFFFFC0];
	_ =	sdelay $0x4  }
0x42: {  	v0 =	vmul.f32 v1, v0;
	_ =	sdelay $0x1  }
0x43: {  	[tilespmem:s29+$0xFFFFFFC0] =	vst v0;
	v0 =	vld [tilespmem:s29+$0xFFFFFFD0]  }
0x44: {  	v1 =	vld [tilespmem:s30+$0xFFFFFFD0];
	_ =	sdelay $0x4  }
0x45: {  	v0 =	vmul.f32 v1, v0;
	_ =	sdelay $0x1  }
0x46: {  	[tilespmem:s29+$0xFFFFFFD0] =	vst v0;
	v0 =	vld [tilespmem:s29+$0xFFFFFFE0]  }
0x47: {  	v1 =	vld [tilespmem:s30+$0xFFFFFFE0];
	_ =	sdelay $0x4  }
0x48: {  	v0 =	vmul.f32 v1, v0;
	_ =	sdelay $0x1  }
0x49: {  	[tilespmem:s29+$0xFFFFFFE0] =	vst v0;
	v0 =	vld [tilespmem:s29+$0xFFFFFFF0]  }
0x4a: {  	v1 =	vld [tilespmem:s30+$0xFFFFFFF0];
	_ =	sdelay $0x4  }
0x4b: {  	v0 =	vmul.f32 v1, v0;
	_ =	sdelay $0x1  }
0x4c: {  	[tilespmem:s29+$0xFFFFFFF0] =	vst v0;
	v0 =	vld [tilespmem:s29+$0x0]  }
0x4d: {  	v1 =	vld [tilespmem:s30+$0x0];
	_ =	sdelay $0x4  }
0x4e: {  	v0 =	vmul.f32 v1, v0;
	_ =	sdelay $0x1  }
0x4f: {  	[tilespmem:s29+$0x0] =	vst v0;
	v0 =	vld [tilespmem:s29+$0x10]  }
0x50: {  	v1 =	vld [tilespmem:s30+$0x10];
	_ =	sdelay $0x4  }
0x51: {  	v0 =	vmul.f32 v1, v0;
	_ =	sdelay $0x1  }
0x52: {  	[tilespmem:s29+$0x10] =	vst v0;
	v0 =	vld [tilespmem:s29+$0x20]  }
0x53: {  	v1 =	vld [tilespmem:s30+$0x20];
	_ =	sdelay $0x4  }
0x54: {  	v0 =	vmul.f32 v1, v0;
	_ =	sdelay $0x1  }
0x55: {  	[tilespmem:s29+$0x20] =	vst v0;
	v0 =	vld [tilespmem:s29+$0x30]  }
0x56: {  	v1 =	vld [tilespmem:s30+$0x30];
	_ =	sdelay $0x4  }
0x57: {  	v0 =	vmul.f32 v1, v0  }
0x58: {  	s31 =	simm.s32 $0x0;
	s0 =	simm.s32 $0x4C0  }
.LBB2_2:
0x59: {  	v1 =	vld [tilespmem:s0+$0xFFFFFFC0];
	[tilespmem:s29+$0x30] =	vst v0;
	s30 =	sadd.s32 $0x80, s30;
	s29 =	smov.u32 s0  }
0x5a: {  	s31 =	sadd.s32 $0x4, s31;
	v0 =	vld [tilespmem:s30+$0xFFFFFFC0]  }
0x5b: {  	p0 =	slt.u32 s31, $0x1FC;
	_ =	sdelay $0x3  }
0x5c: {  	v0 =	vmul.f32 v0, v1;
	_ =	sdelay $0x1  }
0x5d: {  	[tilespmem:s0+$0xFFFFFFC0] =	vst v0;
	v0 =	vld [tilespmem:s0+$0xFFFFFFD0]  }
0x5e: {  	v1 =	vld [tilespmem:s30+$0xFFFFFFD0];
	_ =	sdelay $0x4  }
0x5f: {  	v0 =	vmul.f32 v1, v0;
	_ =	sdelay $0x1  }
0x60: {  	[tilespmem:s0+$0xFFFFFFD0] =	vst v0;
	v0 =	vld [tilespmem:s0+$0xFFFFFFE0]  }
0x61: {  	v1 =	vld [tilespmem:s30+$0xFFFFFFE0];
	_ =	sdelay $0x4  }
0x62: {  	v0 =	vmul.f32 v1, v0;
	_ =	sdelay $0x1  }
0x63: {  	[tilespmem:s0+$0xFFFFFFE0] =	vst v0;
	v0 =	vld [tilespmem:s0+$0xFFFFFFF0]  }
0x64: {  	v1 =	vld [tilespmem:s30+$0xFFFFFFF0];
	_ =	sdelay $0x4  }
0x65: {  	v0 =	vmul.f32 v1, v0;
	_ =	sdelay $0x1  }
0x66: {  	[tilespmem:s0+$0xFFFFFFF0] =	vst v0;
	v0 =	vld [tilespmem:s0+$0x0]  }
0x67: {  	v1 =	vld [tilespmem:s30+$0x0];
	_ =	sdelay $0x4  }
0x68: {  	v0 =	vmul.f32 v1, v0;
	_ =	sdelay $0x1  }
0x69: {  	[tilespmem:s0+$0x0] =	vst v0;
	v0 =	vld [tilespmem:s0+$0x10]  }
0x6a: {  	v1 =	vld [tilespmem:s30+$0x10];
	_ =	sdelay $0x4  }
0x6b: {  	v0 =	vmul.f32 v1, v0;
	_ =	sdelay $0x1  }
0x6c: {  	[tilespmem:s0+$0x10] =	vst v0;
	v0 =	vld [tilespmem:s0+$0x20]  }
0x6d: {  	v1 =	vld [tilespmem:s30+$0x20];
	_ =	sdelay $0x4  }
0x6e: {  	v0 =	vmul.f32 v1, v0;
	_ =	sdelay $0x1  }
0x6f: {  	[tilespmem:s0+$0x20] =	vst v0;
	v0 =	vld [tilespmem:s0+$0x30]  }
0x70: {  	v1 =	vld [tilespmem:s30+$0x30];
	_ =	sdelay $0x1  }
.Ltmp0:
0x71: {  	(pc) =	sbr.rel @p0 .LBB2_2-.Ltmp0, $3  }
0x72: {  	_ =	sdelay $0x1  }
0x73: {  	v0 =	vmul.f32 v1, v0  }
0x74: {  	s0 =	sadd.s32 $0x80, s0  }
0x75: {  	s28 =	sadd.s32 $0x1, s28  }
0x76: {  	p0 =	sne.s32 s28, s8  }
.Ltmp1:
0x77: {  	[tilespmem:s29+$0x30] =	vst v0;
	(pc) =	sbr.rel @p0 .LBB2_1-.Ltmp1, $4  }
0x78: {  	[hbm4b:s7+s2] =	stream.linear.scatter [tilespmem:s12], [sflag:$0x3], $0x4000, $0x38;
	[tilespmem:$0x8400] =	vst v63  }
0x79: {  	_ =	swait.ge [sflag:s9], $0x4000  }
0x7a: {  	[sflag:s9] =	ssyncset.done $0x0  }
0x7b: {  	[sflag:s9] =	ssyncadd.s32 $0xFFFFC000  }
0x7c: {  	_ =	sfence.sel $0x180000  }
0x7d: {  	[bflag:$0x0] =	sbarrier.arrive $0xFFFF  }
0x7e: {  	_ =	strace $0x90000047  }
0x7f: {  	[bflag:$0x2] =	sbarrier.arrive $0xFFFF  }
0x80: {  	p0 =	sne.s32 s1, $0x0;
	s0 =	rddreg [dreg:$0x4]  }
0x81: {  	s0 =	sadd.s32 @!p0 $0x100000, s0  }
0x82: {  	[sflag:s0] =	ssyncadd.tile.s32 @!p0 $0x1;
	_ =	shalt  }
.Lfunc_end2:
_tile_overlayer_lowered:
.L_overlay_start_2:
0x83: {  	(tag) =	ssettag $0x2  }
0x84: {  	s0 =	rddreg [dreg:$0x0];
	s2 =	stileid.u32  }
0x85: {  	s1 =	rddreg [dreg:$0x1];
	p0 =	sne.s32 s2, $0x0  }
0x86: {  	s3 =	rddreg [dreg:$0x2];
	[bflag:$0x3] =	sbarrier.arrive $0xFFFF;
	s2 =	simm.s32 @!p0 $0x1C03  }
0x87: {  	[timem:s3], [sflag:s2] =	dma.local @!p0 [hbm:s0], s1  }
0x88: {  	s0 =	simm.s32 @!p0 $0x3  }
0x89: {  	_ =	swait.ge @!p0 [sflag:s0], s1  }
0x8a: {  	s1 =	ssub.s32 @!p0 $0x0, s1;
	[sflag:s0] =	ssyncset.done @!p0 $0x0  }
0x8b: {  	[sflag:s0] =	ssyncadd.s32 @!p0 s1  }
0x8c: {  	[bflag:$0x3] =	sbarrier.arrive $0xFFFF  }
0x8d: {  	_ =	shalt  }

</sc_bundles>
